<compile_context>
chip_gen: v7x
topology: tpu7x:2x2x1
jax: 0.10.2.dev20260603
libtpu: 0.0.44.dev20260713+nightly
codegen_flags: <defaults>
</compile_context>

<pallas_src>
import functools

import jax
import jax.numpy as jnp
from jax import lax
from jax.experimental import pallas as pl
from jax.experimental.pallas import tpu as pltpu
from jax.experimental.pallas import tpu_sc as plsc

_B, _F, _D, _V = 16384, 129, 128, 100
_NC, _NS, _L = 2, 16, 16
_NW = _NC * _NS
_RPW = _B // _NW
_BLK = 128
_NBLK = _RPW // _BLK
_TCROWS = 1024


def _tc_body(xm_ref, out_ref):
    out_ref[...] = xm_ref[...]


def _sc_body(table_hbm, idx_hbm, o_hbm, iv0, iv1, emb0, emb1,
             isem0, isem1, gsem0, gsem1, wsem0, wsem1):
    wid = lax.axis_index("s") * _NC + lax.axis_index("c")
    row0 = wid * _RPW
    ivs, embs = [iv0, iv1], [emb0, emb1]
    isems, gsems, wsems = [isem0, isem1], [gsem0, gsem1], [wsem0, wsem1]

    def idx_copy(k):
        return pltpu.async_copy(
            idx_hbm.at[pl.ds(row0 + k * _BLK, _BLK)], ivs[k & 1],
            isems[k & 1])

    ins = [None] * _NBLK
    gathers = [None] * _NBLK
    writes = [None] * _NBLK
    ins[0] = idx_copy(0)
    for k in range(_NBLK):
        b = k & 1
        ins[k].wait()
        if k >= 2:
            writes[k - 2].wait()
        gathers[k] = pltpu.async_copy(table_hbm.at[ivs[b]], embs[b],
                                      gsems[b])
        if k + 1 < _NBLK:
            ins[k + 1] = idx_copy(k + 1)
        gathers[k].wait()
        writes[k] = pltpu.async_copy(
            embs[b],
            o_hbm.at[pl.ds(row0 + k * _BLK, _BLK), pl.ds(_D, _D)],
            wsems[b])
    writes[_NBLK - 2].wait()
    writes[_NBLK - 1].wait()


@jax.jit
def kernel(x, table):
    idx = x[:, _F - 1].astype(jnp.int32)
    out_init = pl.pallas_call(
        _tc_body,
        grid=(_B // _TCROWS,),
        in_specs=[pl.BlockSpec((_TCROWS, _D), lambda i: (i, 0))],
        out_specs=pl.BlockSpec((_TCROWS, _D), lambda i: (i, 0)),
        out_shape=jax.ShapeDtypeStruct((_B, 2 * _D), jnp.float32),
    )(x)

    oref = jax.new_ref(out_init)
    mesh = plsc.VectorSubcoreMesh(core_axis_name="c", subcore_axis_name="s")
    f = pl.kernel(
        _sc_body,
        mesh=mesh,
        out_type=(),
        scratch_types=[
            pltpu.VMEM((_BLK,), jnp.int32),
            pltpu.VMEM((_BLK,), jnp.int32),
            pltpu.VMEM((_BLK, _D), jnp.float32),
            pltpu.VMEM((_BLK, _D), jnp.float32),
        ] + [pltpu.SemaphoreType.DMA] * 6,
    )
    f(table, idx, oref)
    return jax.freeze(oref)

# --- scband reference (transcript-rebuilt; emitter-appended) ---
"""Pipeline reference for scband-symbol-embedding-3040836845830 (READ-ONLY COPY).

The authoritative reference and input builder live on the scoring server;
editing this copy changes nothing except your own understanding.
"""

import jax, jax.numpy as jnp
import numpy as np

B, F, D, V = 16384, 129, 128, 100

def setup_inputs(seed: int = 0) -> dict:
    key = jax.random.key(seed)
    k1, k2, k3 = jax.random.split(key, 3)
    x = jax.random.uniform(k1, (B, F), dtype=jnp.float32)
    # last column holds the symbol id as a float (in-range [0, V))
    ids = jax.random.randint(k2, (B,), 0, V).astype(jnp.float32)
    x = x.at[:, -1].set(ids)
    table = jax.random.normal(k3, (V, D), dtype=jnp.float32)
    return {"x": x, "table": table}

def reference(x, table):
    symbol_id = x[:, -1].astype(jnp.int32)
    emb = jnp.take(table, symbol_id, axis=0)
    out = jnp.concatenate([x[:, :-1], emb], axis=1)
    return out

if __name__ == "__main__":
    import jax
    _d = setup_inputs()
    print(jax.jit(kernel)(*tuple(_d.values())))

</pallas_src>

<mosaic_0001>
#map = affine_map<(d0, d1) -> (0, 0)>
#map1 = affine_map<(d0, d1) -> (0)>
module attributes {stable_mosaic.version = 14 : i64} {
  func.func @new_body(%arg0: i32, %arg1: i32, %arg2: memref<100x128xf32, #tpu.memory_space<hbm>>, %arg3: memref<16384xi32, #tpu.memory_space<hbm>>, %arg4: memref<16384x256xf32, #tpu.memory_space<hbm>>, %arg5: memref<16384x256xf32, #tpu.memory_space<hbm>>, %arg6: memref<128xi32, #tpu.memory_space<vmem>>, %arg7: memref<128xi32, #tpu.memory_space<vmem>>, %arg8: memref<128x128xf32, #tpu.memory_space<vmem>>, %arg9: memref<128x128xf32, #tpu.memory_space<vmem>>, %arg10: memref<!tpu.dma_semaphore, #tpu.memory_space<semaphore_mem>>, %arg11: memref<!tpu.dma_semaphore, #tpu.memory_space<semaphore_mem>>, %arg12: memref<!tpu.dma_semaphore, #tpu.memory_space<semaphore_mem>>, %arg13: memref<!tpu.dma_semaphore, #tpu.memory_space<semaphore_mem>>, %arg14: memref<!tpu.dma_semaphore, #tpu.memory_space<semaphore_mem>>, %arg15: memref<!tpu.dma_semaphore, #tpu.memory_space<semaphore_mem>>) attributes {dimension_semantics = [#tpu.dimension_semantics<core_parallel>, #tpu.dimension_semantics<subcore_parallel>], iteration_bounds = array<i64: 2, 16>, scalar_prefetch = 0 : i64, scratch_operands = 10 : i64, tpu.core_type = #tpu.core_type<sc_vector_subcore>, window_params = [{transform_indices = #map}, {transform_indices = #map1}, {transform_indices = #map}, {transform_indices = #map}]} {
    %mul3A = arith.constant 2 : i32
    %mul3A_0 = arith.muli %arg1, %mul3A : i32
    %add3A = arith.addi %mul3A_0, %arg0 : i32
    %mul3A_1 = arith.constant 512 : i32
    %mul3A_2 = arith.muli %add3A, %mul3A_1 : i32
    %add3A_3 = arith.constant 0 : i32
    %add3A_4 = arith.addi %mul3A_2, %add3A_3 : i32
    %dma_start3A = tpu.memref_slice %arg3[%add3A_4] : memref<16384xi32, #tpu.memory_space<hbm>> -> memref<128xi32, #tpu.memory_space<hbm>>
    %dma_start3A_5 = tpu.memref_slice %arg3[%add3A_4] : memref<16384xi32, #tpu.memory_space<hbm>> -> memref<128xi32, #tpu.memory_space<hbm>>
    tpu.enqueue_dma source(%dma_start3A_5 : memref<128xi32, #tpu.memory_space<hbm>>) target(%arg6 : memref<128xi32, #tpu.memory_space<vmem>>) target_semaphore(%arg10 : memref<!tpu.dma_semaphore, #tpu.memory_space<semaphore_mem>>)
    %dma_wait3A = tpu.memref_slice %arg3[%add3A_4] : memref<16384xi32, #tpu.memory_space<hbm>> -> memref<128xi32, #tpu.memory_space<hbm>>
    %dma_wait3A_6 = tpu.memref_slice %arg3[%add3A_4] : memref<16384xi32, #tpu.memory_space<hbm>> -> memref<128xi32, #tpu.memory_space<hbm>>
    tpu.wait_dma2 semaphore(%arg10 : memref<!tpu.dma_semaphore, #tpu.memory_space<semaphore_mem>>) src(%dma_wait3A_6 : memref<128xi32, #tpu.memory_space<hbm>>) dst(%arg6 : memref<128xi32, #tpu.memory_space<vmem>>)
    %dma_start3A_7 = arith.constant 0 : i32
    %dma_start3A_8 = arith.constant 0 : i32
    %dma_start3A_9 = tpu.memref_slice %arg2[%dma_start3A_7, %dma_start3A_8] : memref<100x128xf32, #tpu.memory_space<hbm>> -> memref<100x128xf32, #tpu.memory_space<hbm>>
    tpu.enqueue_indirect_dma source(%dma_start3A_9 : memref<100x128xf32, #tpu.memory_space<hbm>>) target(%arg8 : memref<128x128xf32, #tpu.memory_space<vmem>>) offsets(%arg6 : memref<128xi32, #tpu.memory_space<vmem>>) semaphore(%arg12 : memref<!tpu.dma_semaphore, #tpu.memory_space<semaphore_mem>>)
    %add3A_10 = arith.constant 128 : i32
    %add3A_11 = arith.addi %mul3A_2, %add3A_10 : i32
    %dma_start3A_12 = tpu.memref_slice %arg3[%add3A_11] : memref<16384xi32, #tpu.memory_space<hbm>> -> memref<128xi32, #tpu.memory_space<hbm>>
    %dma_start3A_13 = tpu.memref_slice %arg3[%add3A_11] : memref<16384xi32, #tpu.memory_space<hbm>> -> memref<128xi32, #tpu.memory_space<hbm>>
    tpu.enqueue_dma source(%dma_start3A_13 : memref<128xi32, #tpu.memory_space<hbm>>) target(%arg7 : memref<128xi32, #tpu.memory_space<vmem>>) target_semaphore(%arg11 : memref<!tpu.dma_semaphore, #tpu.memory_space<semaphore_mem>>)
    %dma_wait3A_14 = arith.constant 0 : i32
    %dma_wait3A_15 = arith.constant 0 : i32
    %dma_wait3A_16 = tpu.memref_slice %arg2[%dma_wait3A_14, %dma_wait3A_15] : memref<100x128xf32, #tpu.memory_space<hbm>> -> memref<100x128xf32, #tpu.memory_space<hbm>>
    tpu.wait_indirect_dma semaphore(%arg12 : memref<!tpu.dma_semaphore, #tpu.memory_space<semaphore_mem>>) src(%dma_wait3A_16 : memref<100x128xf32, #tpu.memory_space<hbm>>) dst(%arg8 : memref<128x128xf32, #tpu.memory_space<vmem>>)
    %add3A_17 = arith.constant 0 : i32
    %add3A_18 = arith.addi %mul3A_2, %add3A_17 : i32
    %dma_start3A_19 = arith.constant 128 : i32
    %dma_start3A_20 = tpu.memref_slice %arg4[%add3A_18, %dma_start3A_19] : memref<16384x256xf32, #tpu.memory_space<hbm>> -> memref<128x128xf32, #tpu.memory_space<hbm>>
    %dma_start3A_21 = arith.constant 128 : i32
    %dma_start3A_22 = tpu.memref_slice %arg4[%add3A_18, %dma_start3A_21] : memref<16384x256xf32, #tpu.memory_space<hbm>> -> memref<128x128xf32, #tpu.memory_space<hbm>>
    tpu.enqueue_dma source(%arg8 : memref<128x128xf32, #tpu.memory_space<vmem>>) target(%dma_start3A_22 : memref<128x128xf32, #tpu.memory_space<hbm>>) target_semaphore(%arg14 : memref<!tpu.dma_semaphore, #tpu.memory_space<semaphore_mem>>)
    %dma_wait3A_23 = tpu.memref_slice %arg3[%add3A_11] : memref<16384xi32, #tpu.memory_space<hbm>> -> memref<128xi32, #tpu.memory_space<hbm>>
    %dma_wait3A_24 = tpu.memref_slice %arg3[%add3A_11] : memref<16384xi32, #tpu.memory_space<hbm>> -> memref<128xi32, #tpu.memory_space<hbm>>
    tpu.wait_dma2 semaphore(%arg11 : memref<!tpu.dma_semaphore, #tpu.memory_space<semaphore_mem>>) src(%dma_wait3A_24 : memref<128xi32, #tpu.memory_space<hbm>>) dst(%arg7 : memref<128xi32, #tpu.memory_space<vmem>>)
    %dma_start3A_25 = arith.constant 0 : i32
    %dma_start3A_26 = arith.constant 0 : i32
    %dma_start3A_27 = tpu.memref_slice %arg2[%dma_start3A_25, %dma_start3A_26] : memref<100x128xf32, #tpu.memory_space<hbm>> -> memref<100x128xf32, #tpu.memory_space<hbm>>
    tpu.enqueue_indirect_dma source(%dma_start3A_27 : memref<100x128xf32, #tpu.memory_space<hbm>>) target(%arg9 : memref<128x128xf32, #tpu.memory_space<vmem>>) offsets(%arg7 : memref<128xi32, #tpu.memory_space<vmem>>) semaphore(%arg13 : memref<!tpu.dma_semaphore, #tpu.memory_space<semaphore_mem>>)
    %add3A_28 = arith.constant 256 : i32
    %add3A_29 = arith.addi %mul3A_2, %add3A_28 : i32
    %dma_start3A_30 = tpu.memref_slice %arg3[%add3A_29] : memref<16384xi32, #tpu.memory_space<hbm>> -> memref<128xi32, #tpu.memory_space<hbm>>
    %dma_start3A_31 = tpu.memref_slice %arg3[%add3A_29] : memref<16384xi32, #tpu.memory_space<hbm>> -> memref<128xi32, #tpu.memory_space<hbm>>
    tpu.enqueue_dma source(%dma_start3A_31 : memref<128xi32, #tpu.memory_space<hbm>>) target(%arg6 : memref<128xi32, #tpu.memory_space<vmem>>) target_semaphore(%arg10 : memref<!tpu.dma_semaphore, #tpu.memory_space<semaphore_mem>>)
    %dma_wait3A_32 = arith.constant 0 : i32
    %dma_wait3A_33 = arith.constant 0 : i32
    %dma_wait3A_34 = tpu.memref_slice %arg2[%dma_wait3A_32, %dma_wait3A_33] : memref<100x128xf32, #tpu.memory_space<hbm>> -> memref<100x128xf32, #tpu.memory_space<hbm>>
    tpu.wait_indirect_dma semaphore(%arg13 : memref<!tpu.dma_semaphore, #tpu.memory_space<semaphore_mem>>) src(%dma_wait3A_34 : memref<100x128xf32, #tpu.memory_space<hbm>>) dst(%arg9 : memref<128x128xf32, #tpu.memory_space<vmem>>)
    %add3A_35 = arith.constant 128 : i32
    %add3A_36 = arith.addi %mul3A_2, %add3A_35 : i32
    %dma_start3A_37 = arith.constant 128 : i32
    %dma_start3A_38 = tpu.memref_slice %arg4[%add3A_36, %dma_start3A_37] : memref<16384x256xf32, #tpu.memory_space<hbm>> -> memref<128x128xf32, #tpu.memory_space<hbm>>
    %dma_start3A_39 = arith.constant 128 : i32
    %dma_start3A_40 = tpu.memref_slice %arg4[%add3A_36, %dma_start3A_39] : memref<16384x256xf32, #tpu.memory_space<hbm>> -> memref<128x128xf32, #tpu.memory_space<hbm>>
    tpu.enqueue_dma source(%arg9 : memref<128x128xf32, #tpu.memory_space<vmem>>) target(%dma_start3A_40 : memref<128x128xf32, #tpu.memory_space<hbm>>) target_semaphore(%arg15 : memref<!tpu.dma_semaphore, #tpu.memory_space<semaphore_mem>>)
    %dma_wait3A_41 = tpu.memref_slice %arg3[%add3A_29] : memref<16384xi32, #tpu.memory_space<hbm>> -> memref<128xi32, #tpu.memory_space<hbm>>
    %dma_wait3A_42 = tpu.memref_slice %arg3[%add3A_29] : memref<16384xi32, #tpu.memory_space<hbm>> -> memref<128xi32, #tpu.memory_space<hbm>>
    tpu.wait_dma2 semaphore(%arg10 : memref<!tpu.dma_semaphore, #tpu.memory_space<semaphore_mem>>) src(%dma_wait3A_42 : memref<128xi32, #tpu.memory_space<hbm>>) dst(%arg6 : memref<128xi32, #tpu.memory_space<vmem>>)
    %dma_wait3A_43 = arith.constant 128 : i32
    %dma_wait3A_44 = tpu.memref_slice %arg4[%add3A_18, %dma_wait3A_43] : memref<16384x256xf32, #tpu.memory_space<hbm>> -> memref<128x128xf32, #tpu.memory_space<hbm>>
    %dma_wait3A_45 = arith.constant 128 : i32
    %dma_wait3A_46 = tpu.memref_slice %arg4[%add3A_18, %dma_wait3A_45] : memref<16384x256xf32, #tpu.memory_space<hbm>> -> memref<128x128xf32, #tpu.memory_space<hbm>>
    tpu.wait_dma2 semaphore(%arg14 : memref<!tpu.dma_semaphore, #tpu.memory_space<semaphore_mem>>) src(%arg8 : memref<128x128xf32, #tpu.memory_space<vmem>>) dst(%dma_wait3A_46 : memref<128x128xf32, #tpu.memory_space<hbm>>)
    %dma_start3A_47 = arith.constant 0 : i32
    %dma_start3A_48 = arith.constant 0 : i32
    %dma_start3A_49 = tpu.memref_slice %arg2[%dma_start3A_47, %dma_start3A_48] : memref<100x128xf32, #tpu.memory_space<hbm>> -> memref<100x128xf32, #tpu.memory_space<hbm>>
    tpu.enqueue_indirect_dma source(%dma_start3A_49 : memref<100x128xf32, #tpu.memory_space<hbm>>) target(%arg8 : memref<128x128xf32, #tpu.memory_space<vmem>>) offsets(%arg6 : memref<128xi32, #tpu.memory_space<vmem>>) semaphore(%arg12 : memref<!tpu.dma_semaphore, #tpu.memory_space<semaphore_mem>>)
    %add3A_50 = arith.constant 384 : i32
    %add3A_51 = arith.addi %mul3A_2, %add3A_50 : i32
    %dma_start3A_52 = tpu.memref_slice %arg3[%add3A_51] : memref<16384xi32, #tpu.memory_space<hbm>> -> memref<128xi32, #tpu.memory_space<hbm>>
    %dma_start3A_53 = tpu.memref_slice %arg3[%add3A_51] : memref<16384xi32, #tpu.memory_space<hbm>> -> memref<128xi32, #tpu.memory_space<hbm>>
    tpu.enqueue_dma source(%dma_start3A_53 : memref<128xi32, #tpu.memory_space<hbm>>) target(%arg7 : memref<128xi32, #tpu.memory_space<vmem>>) target_semaphore(%arg11 : memref<!tpu.dma_semaphore, #tpu.memory_space<semaphore_mem>>)
    %dma_wait3A_54 = arith.constant 0 : i32
    %dma_wait3A_55 = arith.constant 0 : i32
    %dma_wait3A_56 = tpu.memref_slice %arg2[%dma_wait3A_54, %dma_wait3A_55] : memref<100x128xf32, #tpu.memory_space<hbm>> -> memref<100x128xf32, #tpu.memory_space<hbm>>
    tpu.wait_indirect_dma semaphore(%arg12 : memref<!tpu.dma_semaphore, #tpu.memory_space<semaphore_mem>>) src(%dma_wait3A_56 : memref<100x128xf32, #tpu.memory_space<hbm>>) dst(%arg8 : memref<128x128xf32, #tpu.memory_space<vmem>>)
    %add3A_57 = arith.constant 256 : i32
    %add3A_58 = arith.addi %mul3A_2, %add3A_57 : i32
    %dma_start3A_59 = arith.constant 128 : i32
    %dma_start3A_60 = tpu.memref_slice %arg4[%add3A_58, %dma_start3A_59] : memref<16384x256xf32, #tpu.memory_space<hbm>> -> memref<128x128xf32, #tpu.memory_space<hbm>>
    %dma_start3A_61 = arith.constant 128 : i32
    %dma_start3A_62 = tpu.memref_slice %arg4[%add3A_58, %dma_start3A_61] : memref<16384x256xf32, #tpu.memory_space<hbm>> -> memref<128x128xf32, #tpu.memory_space<hbm>>
    tpu.enqueue_dma source(%arg8 : memref<128x128xf32, #tpu.memory_space<vmem>>) target(%dma_start3A_62 : memref<128x128xf32, #tpu.memory_space<hbm>>) target_semaphore(%arg14 : memref<!tpu.dma_semaphore, #tpu.memory_space<semaphore_mem>>)
    %dma_wait3A_63 = tpu.memref_slice %arg3[%add3A_51] : memref<16384xi32, #tpu.memory_space<hbm>> -> memref<128xi32, #tpu.memory_space<hbm>>
    %dma_wait3A_64 = tpu.memref_slice %arg3[%add3A_51] : memref<16384xi32, #tpu.memory_space<hbm>> -> memref<128xi32, #tpu.memory_space<hbm>>
    tpu.wait_dma2 semaphore(%arg11 : memref<!tpu.dma_semaphore, #tpu.memory_space<semaphore_mem>>) src(%dma_wait3A_64 : memref<128xi32, #tpu.memory_space<hbm>>) dst(%arg7 : memref<128xi32, #tpu.memory_space<vmem>>)
    %dma_wait3A_65 = arith.constant 128 : i32
    %dma_wait3A_66 = tpu.memref_slice %arg4[%add3A_36, %dma_wait3A_65] : memref<16384x256xf32, #tpu.memory_space<hbm>> -> memref<128x128xf32, #tpu.memory_space<hbm>>
    %dma_wait3A_67 = arith.constant 128 : i32
    %dma_wait3A_68 = tpu.memref_slice %arg4[%add3A_36, %dma_wait3A_67] : memref<16384x256xf32, #tpu.memory_space<hbm>> -> memref<128x128xf32, #tpu.memory_space<hbm>>
    tpu.wait_dma2 semaphore(%arg15 : memref<!tpu.dma_semaphore, #tpu.memory_space<semaphore_mem>>) src(%arg9 : memref<128x128xf32, #tpu.memory_space<vmem>>) dst(%dma_wait3A_68 : memref<128x128xf32, #tpu.memory_space<hbm>>)
    %dma_start3A_69 = arith.constant 0 : i32
    %dma_start3A_70 = arith.constant 0 : i32
    %dma_start3A_71 = tpu.memref_slice %arg2[%dma_start3A_69, %dma_start3A_70] : memref<100x128xf32, #tpu.memory_space<hbm>> -> memref<100x128xf32, #tpu.memory_space<hbm>>
    tpu.enqueue_indirect_dma source(%dma_start3A_71 : memref<100x128xf32, #tpu.memory_space<hbm>>) target(%arg9 : memref<128x128xf32, #tpu.memory_space<vmem>>) offsets(%arg7 : memref<128xi32, #tpu.memory_space<vmem>>) semaphore(%arg13 : memref<!tpu.dma_semaphore, #tpu.memory_space<semaphore_mem>>)
    %dma_wait3A_72 = arith.constant 0 : i32
    %dma_wait3A_73 = arith.constant 0 : i32
    %dma_wait3A_74 = tpu.memref_slice %arg2[%dma_wait3A_72, %dma_wait3A_73] : memref<100x128xf32, #tpu.memory_space<hbm>> -> memref<100x128xf32, #tpu.memory_space<hbm>>
    tpu.wait_indirect_dma semaphore(%arg13 : memref<!tpu.dma_semaphore, #tpu.memory_space<semaphore_mem>>) src(%dma_wait3A_74 : memref<100x128xf32, #tpu.memory_space<hbm>>) dst(%arg9 : memref<128x128xf32, #tpu.memory_space<vmem>>)
    %add3A_75 = arith.constant 384 : i32
    %add3A_76 = arith.addi %mul3A_2, %add3A_75 : i32
    %dma_start3A_77 = arith.constant 128 : i32
    %dma_start3A_78 = tpu.memref_slice %arg4[%add3A_76, %dma_start3A_77] : memref<16384x256xf32, #tpu.memory_space<hbm>> -> memref<128x128xf32, #tpu.memory_space<hbm>>
    %dma_start3A_79 = arith.constant 128 : i32
    %dma_start3A_80 = tpu.memref_slice %arg4[%add3A_76, %dma_start3A_79] : memref<16384x256xf32, #tpu.memory_space<hbm>> -> memref<128x128xf32, #tpu.memory_space<hbm>>
    tpu.enqueue_dma source(%arg9 : memref<128x128xf32, #tpu.memory_space<vmem>>) target(%dma_start3A_80 : memref<128x128xf32, #tpu.memory_space<hbm>>) target_semaphore(%arg15 : memref<!tpu.dma_semaphore, #tpu.memory_space<semaphore_mem>>)
    %dma_wait3A_81 = arith.constant 128 : i32
    %dma_wait3A_82 = tpu.memref_slice %arg4[%add3A_58, %dma_wait3A_81] : memref<16384x256xf32, #tpu.memory_space<hbm>> -> memref<128x128xf32, #tpu.memory_space<hbm>>
    %dma_wait3A_83 = arith.constant 128 : i32
    %dma_wait3A_84 = tpu.memref_slice %arg4[%add3A_58, %dma_wait3A_83] : memref<16384x256xf32, #tpu.memory_space<hbm>> -> memref<128x128xf32, #tpu.memory_space<hbm>>
    tpu.wait_dma2 semaphore(%arg14 : memref<!tpu.dma_semaphore, #tpu.memory_space<semaphore_mem>>) src(%arg8 : memref<128x128xf32, #tpu.memory_space<vmem>>) dst(%dma_wait3A_84 : memref<128x128xf32, #tpu.memory_space<hbm>>)
    %dma_wait3A_85 = arith.constant 128 : i32
    %dma_wait3A_86 = tpu.memref_slice %arg4[%add3A_76, %dma_wait3A_85] : memref<16384x256xf32, #tpu.memory_space<hbm>> -> memref<128x128xf32, #tpu.memory_space<hbm>>
    %dma_wait3A_87 = arith.constant 128 : i32
    %dma_wait3A_88 = tpu.memref_slice %arg4[%add3A_76, %dma_wait3A_87] : memref<16384x256xf32, #tpu.memory_space<hbm>> -> memref<128x128xf32, #tpu.memory_space<hbm>>
    tpu.wait_dma2 semaphore(%arg15 : memref<!tpu.dma_semaphore, #tpu.memory_space<semaphore_mem>>) src(%arg9 : memref<128x128xf32, #tpu.memory_space<vmem>>) dst(%dma_wait3A_88 : memref<128x128xf32, #tpu.memory_space<hbm>>)
    return
  }
}

module attributes {stable_mosaic.version = 14 : i64} {
  func.func @_tc_body(%arg0: i32, %arg1: memref<1024x128xf32, #tpu.memory_space<vmem>>, %arg2: memref<1024x128xf32, #tpu.memory_space<vmem>>) attributes {dimension_semantics = [#tpu.dimension_semantics<arbitrary>], iteration_bounds = array<i64: 16>, scalar_prefetch = 0 : i64, scratch_operands = 0 : i64, tpu.core_type = #tpu.core_type<tc>, window_params = [{transform_indices = @transform_0, window_bounds = array<i64: 1024, 128>}, {transform_indices = @transform_1, window_bounds = array<i64: 1024, 128>}]} {
    %get3A = arith.constant 0 : index
    %get3A_0 = arith.constant 0 : index
    %get3A_1 = vector.load %arg1[%get3A, %get3A_0] : memref<1024x128xf32, #tpu.memory_space<vmem>>, vector<1024x128xf32>
    %swap3A = arith.constant 0 : index
    %swap3A_2 = arith.constant 0 : index
    %swap3A_3 = vector.load %arg2[%swap3A, %swap3A_2] : memref<1024x128xf32, #tpu.memory_space<vmem>>, vector<1024x128xf32>
    tpu.vector_store %arg2[%swap3A, %swap3A_2], %get3A_1 {strides = array<i32>} : memref<1024x128xf32, #tpu.memory_space<vmem>>, vector<1024x128xf32>,
    return
  }
  func.func @transform_0(%arg0: i32) -> (i32, i32) {
    %c0_i32 = arith.constant 0 : i32
    %c0_i32_0 = arith.constant 0 : i32
    return %arg0, %c0_i32 : i32, i32
  }
  func.func @transform_1(%arg0: i32) -> (i32, i32) {
    %c0_i32 = arith.constant 0 : i32
    %c0_i32_0 = arith.constant 0 : i32
    return %arg0, %c0_i32 : i32, i32
  }
}

</mosaic_0001>

<sc_bundles>
// kernel: kernel.4.cloned.1.call-start
scs
__scs_entry_jumppad:
0x0: {  	(pc) =	sbr.rel $0x88, $3  }
0x1: {  	(tag) =	ssettag $0x0;
	lr =	simm.s32 $0x1  }
0x2: {  	[smem:$0x3F9F] =	sst lr;
	_ =	strace $0xD0000000  }
0x3: {  	_ = 	snop  }
0x4: {  	_ = 	snop  }
0x5: {  	_ = 	snop  }
0x6: {  	_ = 	snop  }
0x7: {  	_ = 	snop  }
__scs_overlays_trampoline_lowered:
0x8: {  	[smem:$0x3FAE] =	sst s0  }
0x9: {  	[smem:$0x3FAF] =	sst s1  }
0xa: {  	[smem:$0x3FB0] =	sst s2  }
0xb: {  	[smem:$0x3FB1] =	sst s3  }
0xc: {  	[smem:$0x3FB2] =	sst s4  }
0xd: {  	[smem:$0x3FB3] =	sst s5  }
0xe: {  	[smem:$0x3FB4] =	sst s6  }
0xf: {  	[smem:$0x3FB5] =	sst s7  }
0x10: {  	[smem:$0x3FB6] =	sst s8  }
0x11: {  	[smem:$0x3FB7] =	sst s9;
	s0 =	simm.s32 @!p0 $0x0  }
0x12: {  	s1 =	sld [smem:$0x3F9D];
	s0 =	simm.s32 @p0 $0x1  }
0x13: {  	[smem:$0x3FB8] =	sst s0;
	s0 =	simm.s32 @!p1 $0x0  }
0x14: {  	s2 =	sld [smem:$0x3F9C];
	s0 =	simm.s32 @p1 $0x1  }
0x15: {  	[smem:$0x3FB9] =	sst s0;
	s0 =	simm.s32 @!p2 $0x0  }
0x16: {  	s3 =	sld [smem:$0x3FDB];
	s0 =	simm.s32 @p2 $0x1  }
0x17: {  	s4 =	simm.s32 $0x1BF5;
	[smem:$0x3FBB] =	sst s0  }
0x18: {  	s0 =	sld [smem:$0x3F9E];
	_ =	swait.ge [sflag:s4], $0x0  }
0x19: {  	s7 =	sld [smem:$0x3F9F]  }
0x1a: {  	s8 =	sadd.s32 $0xFFFFE003, lr  }
0x1b: {  	s9 =	sadd.s32 $0xFFFFFEF7, lr;
	s5 =	simm.s32 $0xFFFFFFFF;
	p2 =	slt.u32 s8, $0xFFFFF086  }
0x1c: {  	p1 =	slt.u32 s9, $0xF7A;
	s5 =	simm.s32 @!p2 $0x0  }
0x1d: {  	s5 =	simm.s32 @p1 $0x1;
	p0 =	seq.s32 s7, s2  }
0x1e: {  	s7 =	smul.u32 @!p0 $0xF7A, s2;
	p2 =	seq.s32 @!p0 s5, $0x0  }
0x1f: {  	s9 =	smul.u32 $0xF7A, s1;
	s8 =	simm.s32 @!p0 $0x1BF5;
	p2 =	por !p2, p0  }
0x20: {  	[sflag:s8] =	ssyncset.s32 @!p0 $0xFFFFF086;
	s6 =	sadd.s32 @!p0 s3, s7;
	s7 =	simm.s32 @!p0 $0x108  }
0x21: {  	s3 =	sadd.s32 s3, s9;
	s6 =	sadd.s32 @!p0 $0x88, s6;
	s7 =	simm.s32 @p2 $0x1082  }
0x22: {  	[simem:s7], [sflag:s8] =	dma.local @!p0 [hbm:s6], $0xF7A  }
0x23: {  	s9 =	sor.u32 $0xD0000000, s2;
	s6 =	simm.s32 $0x108;
	_ =	swait.ge @!p0 [sflag:s8], $0x0  }
0x24: {  	s3 =	sadd.s32 $0x88, s3;
	s6 =	simm.s32 @!p1 $0x1082;
	[sflag:s4] =	ssyncset.s32 $0xFFFFF086  }
0x25: {  	[simem:s6], [sflag:s4] =	dma.local [hbm:s3], $0xF7A  }
0x26: {  	[smem:$0x3F9F] =	sst s1;
	(tag) =	ssettag s2;
	_ =	strace s9  }
0x27: {  	s1 =	sld [smem:$0x3FAF]  }
0x28: {  	s2 =	sld [smem:$0x3FB0]  }
0x29: {  	s4 =	sld [smem:$0x3FB2]  }
0x2a: {  	p0 =	seq.s32 s5, $0x0;
	s5 =	sld [smem:$0x3FB3]  }
0x2b: {  	s6 =	sld [smem:$0x3FB4]  }
0x2c: {  	s7 =	sld [smem:$0x3FB5]  }
0x2d: {  	s3 =	simm.s32 $0x108;
	s8 =	sld [smem:$0x3FB6]  }
0x2e: {  	s3 =	simm.s32 @!p0 $0x1082;
	s9 =	sld [smem:$0x3FB7]  }
0x2f: {  	lr =	sadd.s32 s0, s3;
	s0 =	sld [smem:$0x3FAE]  }
0x30: {  	s3 =	sld [smem:$0x3FB1]  }
0x31: {  	[smem:$0x3FBA] =	sst s10  }
0x32: {  	s10 =	sld [smem:$0x3FB8];
	_ =	sdelay $0x3  }
0x33: {  	p0 =	seq.s32 s10, $0x1;
	s10 =	sld [smem:$0x3FBA];
	_ =	sdelay $0x3  }
0x34: {  	[smem:$0x3FBA] =	sst s10  }
0x35: {  	s10 =	sld [smem:$0x3FB9];
	_ =	sdelay $0x3  }
0x36: {  	p1 =	seq.s32 s10, $0x1;
	s10 =	sld [smem:$0x3FBA];
	_ =	sdelay $0x3  }
0x37: {  	[smem:$0x3FBA] =	sst s10  }
0x38: {  	s10 =	sld [smem:$0x3FBB]  }
0x39: {  	_ = 	snop;
	(pc) =	sbr.ind lr, $3  }
0x3a: {  	_ = 	snop  }
0x3b: {  	_ = 	snop  }
0x3c: {  	p2 =	seq.s32 s10, $0x1;
	s10 =	sld [smem:$0x3FBA]  }
0x3d: {  	_ =	shalt  }
0x3e: {  	_ =	shalt  }
0x3f: {  	_ =	shalt  }
0x40: {  	_ =	shalt  }
0x41: {  	_ =	shalt  }
0x42: {  	_ =	shalt  }
0x43: {  	_ =	shalt  }
0x44: {  	_ =	shalt  }
0x45: {  	_ =	shalt  }
0x46: {  	_ =	shalt  }
0x47: {  	_ =	shalt  }
0x48: {  	_ =	shalt  }
0x49: {  	_ =	shalt  }
0x4a: {  	_ =	shalt  }
0x4b: {  	_ =	shalt  }
0x4c: {  	_ =	shalt  }
0x4d: {  	_ =	shalt  }
0x4e: {  	_ =	shalt  }
0x4f: {  	_ =	shalt  }
0x50: {  	_ =	shalt  }
0x51: {  	_ =	shalt  }
0x52: {  	_ =	shalt  }
0x53: {  	_ =	shalt  }
0x54: {  	_ =	shalt  }
0x55: {  	_ =	shalt  }
0x56: {  	_ =	shalt  }
0x57: {  	_ =	shalt  }
0x58: {  	_ =	shalt  }
0x59: {  	_ =	shalt  }
0x5a: {  	_ =	shalt  }
0x5b: {  	_ =	shalt  }
0x5c: {  	_ =	shalt  }
0x5d: {  	_ =	shalt  }
0x5e: {  	_ =	shalt  }
0x5f: {  	_ =	shalt  }
0x60: {  	_ =	shalt  }
0x61: {  	_ =	shalt  }
0x62: {  	_ =	shalt  }
0x63: {  	_ =	shalt  }
0x64: {  	_ =	shalt  }
0x65: {  	_ =	shalt  }
0x66: {  	_ =	shalt  }
0x67: {  	_ =	shalt  }
0x68: {  	_ =	shalt  }
0x69: {  	_ =	shalt  }
0x6a: {  	_ =	shalt  }
0x6b: {  	_ =	shalt  }
0x6c: {  	_ =	shalt  }
0x6d: {  	_ =	shalt  }
0x6e: {  	_ =	shalt  }
0x6f: {  	_ =	shalt  }
0x70: {  	_ =	shalt  }
0x71: {  	_ =	shalt  }
0x72: {  	_ =	shalt  }
0x73: {  	_ =	shalt  }
0x74: {  	_ =	shalt  }
0x75: {  	_ =	shalt  }
0x76: {  	_ =	shalt  }
0x77: {  	_ =	shalt  }
0x78: {  	_ =	shalt  }
0x79: {  	_ =	shalt  }
0x7a: {  	_ =	shalt  }
0x7b: {  	_ =	shalt  }
0x7c: {  	_ =	shalt  }
0x7d: {  	_ =	shalt  }
0x7e: {  	_ =	shalt  }
0x7f: {  	_ =	shalt  }
0x80: {  	_ =	shalt  }
0x81: {  	_ =	shalt  }
0x82: {  	_ =	shalt  }
0x83: {  	_ =	shalt  }
0x84: {  	_ =	shalt  }
0x85: {  	_ =	shalt  }
0x86: {  	_ =	shalt  }
0x87: {  	_ =	shalt  }
.Lfunc_end0:
.L_simem_size_0:
called_computation_lowered:
.L_overlay_start_0:
0x88: {  	s2 =	sld [smem:$0x3FD9]  }
0x89: {  	s3 =	sld [smem:$0x3FFE];
	_ =	sdelay $0x1  }
0x8a: {  	s1 =	srdreg.scid  }
0x8b: {  	s0 =	sand.u32 $0x1, s1  }
0x8c: {  	s17 =	sshll.u32 s0, $0xA;
	s2 =	sadd.s32 s3, s2  }
0x8d: {  	s2 =	sadd.s32 s2, s17  }
0x8e: {  	[smem:$0x3FC6] =	sst s2  }
0x8f: {  	_ = 	snop  }
0x90: {  	s2 =	sld [smem:$0x3FC8]  }
0x91: {  	s18 =	sld [smem:$0x3FD0];
	(tm) =	ssettm $0x1  }
0x92: {  	s4 =	sld [smem:$0x3FFB];
	_ =	sdelay $0x3  }
0x93: {  	_ =	strace s4  }
0x94: {  	s4 =	sld [smem:$0x3FFC];
	_ =	sdelay $0x3  }
0x95: {  	_ =	strace s4  }
0x96: {  	s4 =	sld [smem:$0x3FFD];
	_ =	sdelay $0x3  }
0x97: {  	_ =	strace s4  }
0x98: {  	_ =	strace $0x8FFFFFFF  }
0x99: {  	s19 =	sld [smem:$0x3FDB];
	_ =	sdelay $0x1  }
0x9a: {  	s5 =	simm.s32 $_scs_section_size  }
0x9b: {  	s6 =	simm.s32 $_size__tile_overlayer_lowered;
	s7 =	simm.s32 $_tile_overlayer_lowered  }
0x9c: {  	s22 =	simm.s32 $0x1BFF;
	s21 =	sshll.u32 s7, $0x1;
	s4 =	sadd.s32 s5, s19  }
0x9d: {  	s8 =	simm.s32 $0x0;
	s20 =	sshll.u32 s6, $0x1;
	s6 =	sadd.s32 s21, s4  }
0x9e: {  	[timem:s8], [sflag:s22] =	dma.local [hbm:s6], s20  }
0x9f: {  	_ =	swait.ge [sflag:s22], s20  }
0xa0: {  	s5 =	ssub.s32 $0x0, s20;
	[sflag:s22] =	ssyncset.done $0x0  }
0xa1: {  	[sflag:s22] =	ssyncadd.s32 s5;
	_ =	sdelay $0x1  }
0xa2: {  	s23 =	simm.s32 $0x1B8B  }
0xa3: {  	_ =	swait.ge [sflag:s23], $0x1  }
0xa4: {  	[sflag:s23] =	ssyncset.done $0x0  }
0xa5: {  	s25 =	simm.s32 $0x1B8E;
	s24 =	sld [smem:$0x3FFE];
	[sflag:s23] =	ssyncadd.s32 $0xFFFFFFFF  }
0xa6: {  	s26 =	simm.s32 $execute0_lowered;
	[smem:$0x3FD2] =	sst s25  }
0xa7: {  	s6 =	sshll.u32 s26, $0x1;
	_ =	strace $0x80000046;
	[dreg:$0x1] =	wrdreg $0xFFFFFFFF  }
0xa8: {  	s28 =	simm.s32 $_size_execute0_lowered;
	s4 =	sadd.s32 s4, s6;
	[dreg:$0x0] =	wrdreg $0x0  }
0xa9: {  	s6 =	sshll.u32 s28, $0x1;
	[dreg:$0x2] =	wrdreg s4  }
0xaa: {  	[dreg:$0x3] =	wrdreg s6  }
0xab: {  	[dreg:$0x4] =	wrdreg $0xC0  }
0xac: {  	_ =	task [dreg:s8], $0x5FFFF  }
0xad: {  	[dreg:$0x1] =	wrdreg $0xFFFFFFFF  }
0xae: {  	[dreg:$0x0] =	wrdreg $0x60  }
0xaf: {  	[dreg:$0x2] =	wrdreg s2  }
0xb0: {  	[dreg:$0x3] =	wrdreg s24  }
0xb1: {  	[dreg:$0x4] =	wrdreg s18  }
0xb2: {  	[dreg:$0x5] =	wrdreg $0x9  }
0xb3: {  	_ =	task.clear_ibuf [dreg:s8], $0x6FFFF;
	_ =	strace $0x90000046  }
0xb4: {  	s29 =	simm.s32 $0x9;
	_ =	strace $0x80000048  }
0xb5: {  	_ =	swait.ge [sflag:s29], $0x1  }
0xb6: {  	[sflag:s29] =	ssyncadd.s32 $0xFFFFFFFF  }
0xb7: {  	_ =	strace $0x90000048  }
0xb8: {  	_ =	sfence  }
0xb9: {  	s30 =	sld [smem:$0x0];
	_ =	sdelay $0x2  }
0xba: {  	s31 =	sshll.u32 s1, $0xD;
	s1 =	sshrl.u32 s1, $0x2  }
0xbb: {  	s3 =	sand.u32 $0x4000, s31;
	s1 =	sadd.s32 s1, s30  }
0xbc: {  	s0 =	sor.u32 s3, s0;
	s1 =	sshll.u32 s1, $0x11  }
0xbd: {  	s0 =	sor.u32 s1, s0  }
0xbe: {  	s0 =	sadd.s32 $0x8F2B, s0  }
0xbf: {  	[sflag:s0] =	ssyncadd.remote.s32 $0x1  }
0xc0: {  	_ =	sfence.sel $0xFFFF  }
0xc1: {  	[dreg:$0x0] =	wrdreg $0xFFFFFFFF;
	(pc) =	sbr.abs _section_cstart, $3  }
0xc2: {  	[dreg:$0x1] =	wrdreg $0xFFFFFFFF  }
0xc3: {  	_ =	task.clear_ibuf [dreg:s8], $0x2FFFF;
	_ =	strace $0x9FFFFFFF  }
0xc4: {  	(tm) =	ssettm $0x7FFFFFFF  }
0xc5: {  	_ =	shalt  }
tec
execute0_lowered:
.L_overlay_start_1:
0x0: {  	(tag) =	ssettag $0x1  }
0x1: {  	s1 =	rddreg [dreg:$0x0];
	s2 =	srdreg.scid  }
0x2: {  	s4 =	rddreg [dreg:$0x1];
	s0 =	stileid.u32;
	s22 =	sand.u32 $0x1, s2  }
0x3: {  	s10 =	rddreg [dreg:$0x2];
	s5 =	sshll.u32 s0, $0xA;
	s6 =	sshll.u32 s22, $0x9  }
0x4: {  	s3 =	simm.s32 $0x0;
	s2 =	rddreg [dreg:$0x3];
	s19 =	sor.u32 s6, s5  }
0x5: {  	[smem:$0x7FF] =	sst s3;
	s20 =	sadd.s32 $0x400, s4;
	s29 =	sshrl.u32 s19, $0x3  }
0x6: {  	_ =	strace $0x80000047;
	s5 =	simm.s32 $0x1;
	s4 =	sadd.s32 s20, s29  }
0x7: {  	[tilespmem:s3], [sflag:$0x1] =	stream.linear.gather [hbm4b:s4+s3], $0x80, $0x38;
	[tilespmem:$0x8100] =	vst v63  }
0x8: {  	_ =	swait.ge [sflag:s5], $0x80  }
0x9: {  	s7 =	simm.s32 $0x100;
	s17 =	sor.u32 $0x80, s19;
	[sflag:s5] =	ssyncset.done $0x0  }
0xa: {  	s6 =	simm.s32 $0x80;
	s8 =	sshrl.u32 s17, $0x3;
	[sflag:s5] =	ssyncadd.s32 $0xFFFFFF80  }
0xb: {  	[tilespmem:s7], [sflag:$0x3] =	stream.indirect.gather [hbm4b:s1+s6], $0x80, s3, s6, $0xb8;
	[tilespmem:$0x8100] =	vst v63  }
0xc: {  	s9 =	simm.s32 $0x3;
	s8 =	sadd.s32 s20, s8  }
0xd: {  	[tilespmem:s6], [sflag:$0x2] =	stream.linear.gather [hbm4b:s8+s3], $0x80, $0x38;
	[tilespmem:$0x8100] =	vst v63  }
0xe: {  	s12 =	simm.s32 $0x800;
	s13 =	simm.s32 $0x2;
	_ =	swait.ge [sflag:s9], $0x4000  }
0xf: {  	s23 =	sadd.s32 $0x80, s10;
	s11 =	sshll.u32 s19, $0x5;
	[sflag:s9] =	ssyncset.done $0x0  }
0x10: {  	s10 =	sadd.s32 s11, s23;
	s11 =	simm.s32 $0x400;
	[sflag:s9] =	ssyncadd.s32 $0xFFFFC000  }
0x11: {  	[hbm4b:s10+s11] =	stream.strided.scatter [tilespmem:s7], [sflag:$0x5], $0x4000, s12, s11, $0x38;
	[tilespmem:$0x8100] =	vst v63  }
0x12: {  	_ =	swait.ge [sflag:s13], $0x80  }
0x13: {  	s21 =	sor.u32 $0x100, s19;
	[sflag:s13] =	ssyncset.done $0x0  }
0x14: {  	s14 =	simm.s32 $0x4100;
	s15 =	sshrl.u32 s21, $0x3;
	[sflag:s13] =	ssyncadd.s32 $0xFFFFFF80  }
0x15: {  	[tilespmem:s14], [sflag:$0x4] =	stream.indirect.gather [hbm4b:s1+s6], $0x80, s6, s6, $0xb8;
	[tilespmem:$0x8100] =	vst v63  }
0x16: {  	s16 =	simm.s32 $0x4;
	s15 =	sadd.s32 s20, s15  }
0x17: {  	[tilespmem:s3], [sflag:$0x1] =	stream.linear.gather [hbm4b:s15+s3], $0x80, $0x38;
	[tilespmem:$0x8100] =	vst v63  }
0x18: {  	_ =	swait.ge [sflag:s16], $0x4000  }
0x19: {  	s17 =	sshll.u32 s17, $0x5;
	[sflag:s16] =	ssyncset.done $0x0  }
0x1a: {  	s17 =	sadd.s32 s17, s23;
	[sflag:s16] =	ssyncadd.s32 $0xFFFFC000  }
0x1b: {  	[hbm4b:s17+s11] =	stream.strided.scatter [tilespmem:s14], [sflag:$0x6], $0x4000, s12, s11, $0x38;
	[tilespmem:$0x8100] =	vst v63  }
0x1c: {  	_ =	swait.ge [sflag:s5], $0x80  }
0x1d: {  	[sflag:s5] =	ssyncset.done $0x0  }
0x1e: {  	s18 =	simm.s32 $0x5;
	[sflag:s5] =	ssyncadd.s32 $0xFFFFFF80  }
0x1f: {  	_ =	swait.ge [sflag:s18], $0x4000  }
0x20: {  	s24 =	sor.u32 $0x180, s19;
	[sflag:s18] =	ssyncset.done $0x0  }
0x21: {  	s19 =	sshrl.u32 s24, $0x3;
	[sflag:s18] =	ssyncadd.s32 $0xFFFFC000  }
0x22: {  	[tilespmem:s7], [sflag:$0x3] =	stream.indirect.gather [hbm4b:s1+s6], $0x80, s3, s6, $0xb8;
	[tilespmem:$0x8100] =	vst v63  }
0x23: {  	s19 =	sadd.s32 s20, s19  }
0x24: {  	[tilespmem:s6], [sflag:$0x2] =	stream.linear.gather [hbm4b:s19+s3], $0x80, $0x38;
	[tilespmem:$0x8100] =	vst v63  }
0x25: {  	_ =	swait.ge [sflag:s9], $0x4000  }
0x26: {  	s30 =	sshll.u32 s21, $0x5;
	[sflag:s9] =	ssyncset.done $0x0  }
0x27: {  	s20 =	sadd.s32 s30, s23;
	[sflag:s9] =	ssyncadd.s32 $0xFFFFC000  }
0x28: {  	[hbm4b:s20+s11] =	stream.strided.scatter [tilespmem:s7], [sflag:$0x5], $0x4000, s12, s11, $0x38;
	[tilespmem:$0x8100] =	vst v63  }
0x29: {  	_ =	swait.ge [sflag:s13], $0x80  }
0x2a: {  	[sflag:s13] =	ssyncset.done $0x0  }
0x2b: {  	s21 =	simm.s32 $0x6;
	[sflag:s13] =	ssyncadd.s32 $0xFFFFFF80  }
0x2c: {  	_ =	swait.ge [sflag:s21], $0x4000  }
0x2d: {  	s25 =	ssub.s32 $0x2, s22;
	[sflag:s21] =	ssyncset.done $0x0  }
0x2e: {  	s31 =	sshrl.u32 s25, $0x1;
	s24 =	sshll.u32 s24, $0x5;
	[sflag:s21] =	ssyncadd.s32 $0xFFFFC000  }
0x2f: {  	[tilespmem:s14], [sflag:$0x4] =	stream.indirect.gather [hbm4b:s1+s6], $0x80, s6, s6, $0xb8;
	[tilespmem:$0x8100] =	vst v63  }
0x30: {  	s22 =	sadd.s32 s24, s23;
	s23 =	ssub.s32 s25, s31;
	_ =	swait.ge [sflag:s16], $0x4000  }
0x31: {  	s23 =	smax.u32 s23, $0x1;
	[sflag:s16] =	ssyncset.done $0x0  }
0x32: {  	p0 =	sne.s32 s23, $0x1;
	[sflag:s16] =	ssyncadd.s32 $0xFFFFC000  }
0x33: {  	[hbm4b:s22+s11] =	stream.strided.scatter [tilespmem:s14], [sflag:$0x6], $0x4000, s12, s11, $0x38;
	[tilespmem:$0x8100] =	vst v63  }
.Ltmp0:
0x34: {  	_ =	swait.ge [sflag:s18], $0x4000;
	(pc) =	sbr.rel @!p0 .LBB2_2-.Ltmp0, $4  }
0x35: {  	[sflag:s18] =	ssyncset.done $0x0  }
0x36: {  	[sflag:s18] =	ssyncadd.s32 $0xFFFFC000  }
0x37: {  	_ =	swait.ge [sflag:s21], $0x4000  }
0x38: {  	s23 =	sadd.s32 $0xFFFFFFFF, s23;
	[sflag:s21] =	ssyncset.done $0x0  }
.LBB2_1:
0x39: {  	p0 =	sne.s32 s23, $0x1;
	s23 =	sadd.s32 $0xFFFFFFFF, s23;
	[sflag:s21] =	ssyncadd.s32 $0xFFFFC000  }
0x3a: {  	[tilespmem:s3], [sflag:$0x1] =	stream.linear.gather [hbm4b:s4+s3], $0x80, $0x38;
	[tilespmem:$0x8100] =	vst v63  }
0x3b: {  	_ =	swait.ge [sflag:s5], $0x80  }
0x3c: {  	[sflag:s5] =	ssyncset.done $0x0  }
0x3d: {  	[sflag:s5] =	ssyncadd.s32 $0xFFFFFF80  }
0x3e: {  	[tilespmem:s7], [sflag:$0x3] =	stream.indirect.gather [hbm4b:s1+s6], $0x80, s3, s6, $0xb8;
	[tilespmem:$0x8100] =	vst v63  }
0x3f: {  	_ = 	snop  }
0x40: {  	[tilespmem:s6], [sflag:$0x2] =	stream.linear.gather [hbm4b:s8+s3], $0x80, $0x38;
	[tilespmem:$0x8100] =	vst v63  }
0x41: {  	_ =	swait.ge [sflag:s9], $0x4000  }
0x42: {  	[sflag:s9] =	ssyncset.done $0x0  }
0x43: {  	[sflag:s9] =	ssyncadd.s32 $0xFFFFC000  }
0x44: {  	[hbm4b:s10+s11] =	stream.strided.scatter [tilespmem:s7], [sflag:$0x5], $0x4000, s12, s11, $0x38;
	[tilespmem:$0x8100] =	vst v63  }
0x45: {  	_ =	swait.ge [sflag:s13], $0x80  }
0x46: {  	[sflag:s13] =	ssyncset.done $0x0  }
0x47: {  	[sflag:s13] =	ssyncadd.s32 $0xFFFFFF80  }
0x48: {  	[tilespmem:s14], [sflag:$0x4] =	stream.indirect.gather [hbm4b:s1+s6], $0x80, s6, s6, $0xb8;
	[tilespmem:$0x8100] =	vst v63  }
0x49: {  	_ = 	snop  }
0x4a: {  	[tilespmem:s3], [sflag:$0x1] =	stream.linear.gather [hbm4b:s15+s3], $0x80, $0x38;
	[tilespmem:$0x8100] =	vst v63  }
0x4b: {  	_ =	swait.ge [sflag:s16], $0x4000  }
0x4c: {  	[sflag:s16] =	ssyncset.done $0x0  }
0x4d: {  	[sflag:s16] =	ssyncadd.s32 $0xFFFFC000  }
0x4e: {  	[hbm4b:s17+s11] =	stream.strided.scatter [tilespmem:s14], [sflag:$0x6], $0x4000, s12, s11, $0x38;
	[tilespmem:$0x8100] =	vst v63  }
0x4f: {  	_ =	swait.ge [sflag:s5], $0x80  }
0x50: {  	[sflag:s5] =	ssyncset.done $0x0  }
0x51: {  	[sflag:s5] =	ssyncadd.s32 $0xFFFFFF80  }
0x52: {  	_ =	swait.ge [sflag:s18], $0x4000  }
0x53: {  	[sflag:s18] =	ssyncset.done $0x0  }
0x54: {  	[sflag:s18] =	ssyncadd.s32 $0xFFFFC000  }
0x55: {  	[tilespmem:s7], [sflag:$0x3] =	stream.indirect.gather [hbm4b:s1+s6], $0x80, s3, s6, $0xb8;
	[tilespmem:$0x8100] =	vst v63  }
0x56: {  	_ = 	snop  }
0x57: {  	[tilespmem:s6], [sflag:$0x2] =	stream.linear.gather [hbm4b:s19+s3], $0x80, $0x38;
	[tilespmem:$0x8100] =	vst v63  }
0x58: {  	_ =	swait.ge [sflag:s9], $0x4000  }
0x59: {  	[sflag:s9] =	ssyncset.done $0x0  }
0x5a: {  	[sflag:s9] =	ssyncadd.s32 $0xFFFFC000  }
0x5b: {  	[hbm4b:s20+s11] =	stream.strided.scatter [tilespmem:s7], [sflag:$0x5], $0x4000, s12, s11, $0x38;
	[tilespmem:$0x8100] =	vst v63  }
0x5c: {  	_ =	swait.ge [sflag:s13], $0x80  }
0x5d: {  	[sflag:s13] =	ssyncset.done $0x0  }
0x5e: {  	[sflag:s13] =	ssyncadd.s32 $0xFFFFFF80  }
0x5f: {  	_ =	swait.ge [sflag:s21], $0x4000  }
0x60: {  	[sflag:s21] =	ssyncset.done $0x0  }
0x61: {  	[sflag:s21] =	ssyncadd.s32 $0xFFFFC000  }
0x62: {  	[tilespmem:s14], [sflag:$0x4] =	stream.indirect.gather [hbm4b:s1+s6], $0x80, s6, s6, $0xb8;
	[tilespmem:$0x8100] =	vst v63  }
0x63: {  	_ =	swait.ge [sflag:s16], $0x4000  }
0x64: {  	[sflag:s16] =	ssyncset.done $0x0  }
0x65: {  	[sflag:s16] =	ssyncadd.s32 $0xFFFFC000  }
0x66: {  	[hbm4b:s22+s11] =	stream.strided.scatter [tilespmem:s14], [sflag:$0x6], $0x4000, s12, s11, $0x38;
	[tilespmem:$0x8100] =	vst v63  }
.Ltmp1:
0x67: {  	_ =	swait.ge [sflag:s18], $0x4000;
	(pc) =	sbr.rel @p0 .LBB2_1-.Ltmp1, $4  }
0x68: {  	[sflag:s18] =	ssyncset.done $0x0  }
0x69: {  	[sflag:s18] =	ssyncadd.s32 $0xFFFFC000  }
0x6a: {  	_ =	swait.ge [sflag:s21], $0x4000  }
0x6b: {  	[sflag:s21] =	ssyncset.done $0x0  }
.LBB2_2:
0x6c: {  	[sflag:s21] =	ssyncadd.s32 $0xFFFFC000  }
0x6d: {  	_ =	sfence.sel $0x180000  }
0x6e: {  	[bflag:$0x0] =	sbarrier.arrive $0xFFFF  }
0x6f: {  	p0 =	sne.s32 s0, $0x0;
	_ =	strace $0x90000047  }
0x70: {  	s0 =	sadd.s32 @!p0 $0x100000, s2;
	[bflag:$0x2] =	sbarrier.arrive $0xFFFF  }
0x71: {  	[sflag:s0] =	ssyncadd.tile.s32 @!p0 $0x1;
	_ =	shalt  }
.Lfunc_end2:
_tile_overlayer_lowered:
.L_overlay_start_2:
0x72: {  	(tag) =	ssettag $0x2  }
0x73: {  	s0 =	rddreg [dreg:$0x0];
	s2 =	stileid.u32  }
0x74: {  	s1 =	rddreg [dreg:$0x1];
	p0 =	sne.s32 s2, $0x0  }
0x75: {  	s3 =	rddreg [dreg:$0x2];
	[bflag:$0x3] =	sbarrier.arrive $0xFFFF;
	s2 =	simm.s32 @!p0 $0x1C07  }
0x76: {  	[timem:s3], [sflag:s2] =	dma.local @!p0 [hbm:s0], s1  }
0x77: {  	s0 =	simm.s32 @!p0 $0x7  }
0x78: {  	_ =	swait.ge @!p0 [sflag:s0], s1  }
0x79: {  	s1 =	ssub.s32 @!p0 $0x0, s1;
	[sflag:s0] =	ssyncset.done @!p0 $0x0  }
0x7a: {  	[sflag:s0] =	ssyncadd.s32 @!p0 s1  }
0x7b: {  	[bflag:$0x3] =	sbarrier.arrive $0xFFFF  }
0x7c: {  	_ =	shalt  }

</sc_bundles>
